<compile_context>
chip_gen: v7x
topology: tpu7x:2x2x1
jax: 0.10.2.dev20260603
libtpu: 0.0.44.dev20260713+nightly
codegen_flags: <defaults>
</compile_context>

<pallas_src>
import functools

import jax
import jax.numpy as jnp
from jax import lax
from jax.experimental import pallas as pl
from jax.experimental.pallas import tpu as pltpu
from jax.experimental.pallas import tpu_sc as plsc

_B, _L, _EMB = 4096, 100, 768
_PROMPT = 100
_VPAD = 128
_NC, _NS = 2, 16
_NW = _NC * _NS
_BROWS = _B // _NW
_H0 = 48
_H1 = 64
_O1 = 32
_RS = _H0 + _H1
_HT = 4
_OT = 96
_RSP = 120


def _y_body(t_ref, w_ref, b_ref, y_ref):
    h = lax.dot_general(t_ref[...], w_ref[...],
                        (((1,), (1,)), ((), ())),
                        preferred_element_type=jnp.float32)
    h = h + b_ref[...]
    y_ref[...] = 0.5 * h * (1.0 + lax.erf(h * 0.7071067811865476))


def _fold_table(table, W, b):
    tp = jnp.zeros((_VPAD, _EMB), jnp.float32).at[:_PROMPT, :].set(table)
    return pl.pallas_call(
        _y_body,
        out_shape=jax.ShapeDtypeStruct((_VPAD, _EMB), jnp.float32),
    )(tp, W, b.reshape(1, _EMB))


def _gather_body(y_hbm, x_hbm, out_hbm,
                 idx_v, rows0, rows1, rowst,
                 gsem0, gsem1, wsem0, wsem1, tgsem, twsem):
    wid = lax.axis_index("s") * _NC + lax.axis_index("c")
    b0 = wid * _BROWS

    pltpu.sync_copy(x_hbm.at[pl.ds(b0 * _RSP, _BROWS * _RSP)], idx_v)

    def _src0(r):
        return y_hbm.at[idx_v.at[pl.ds(r * _RSP, _H0)]]

    def _src1(r):
        return y_hbm.at[idx_v.at[pl.ds(r * _RSP + _H0, _H1)]]

    def _srct(r):
        return y_hbm.at[idx_v.at[pl.ds(r * _RSP + _H0 + _H1, _HT)]]

    def _dst0(r):
        return out_hbm.at[b0 + r, pl.ds(0, _H0), :]

    def _dst1(r):
        return out_hbm.at[b0 + r, pl.ds(_O1, _H1), :]

    def _dstt(r):
        return out_hbm.at[b0 + r, pl.ds(_OT, _HT), :]

    pltpu.async_copy(_src0(0), rows0, gsem0)

    @pl.loop(0, _BROWS)
    def _row(r):
        @pl.when(r > 0)
        def _():
            pltpu.make_async_copy(rows1, _dst1(r - 1), wsem1).wait()
            pltpu.make_async_copy(rowst, _dstt(r - 1), twsem).wait()

        pltpu.async_copy(_src1(r), rows1, gsem1)
        pltpu.async_copy(_srct(r), rowst, tgsem)

        pltpu.make_async_copy(_src0(r), rows0, gsem0).wait()
        pltpu.async_copy(rows0, _dst0(r), wsem0)

        pltpu.make_async_copy(_src1(r), rows1, gsem1).wait()
        pltpu.async_copy(rows1, _dst1(r), wsem1)

        pltpu.make_async_copy(_srct(r), rowst, tgsem).wait()
        pltpu.async_copy(rowst, _dstt(r), twsem)

        pltpu.make_async_copy(rows0, _dst0(r), wsem0).wait()

        @pl.when(r + 1 < _BROWS)
        def _():
            pltpu.async_copy(_src0(r + 1), rows0, gsem0)

    pltpu.make_async_copy(rows1, _dst1(_BROWS - 1), wsem1).wait()
    pltpu.make_async_copy(rowst, _dstt(_BROWS - 1), twsem).wait()


_gather_call = functools.partial(
    pl.kernel,
    out_type=jax.ShapeDtypeStruct((_B, _L, _EMB), jnp.float32),
    mesh=plsc.VectorSubcoreMesh(core_axis_name="c", subcore_axis_name="s"),
    scratch_types=[
        pltpu.VMEM((_BROWS * _RSP,), jnp.int32),
        pltpu.VMEM((_H0, _EMB), jnp.float32),
        pltpu.VMEM((_H1, _EMB), jnp.float32),
        pltpu.VMEM((_HT, _EMB), jnp.float32),
        pltpu.SemaphoreType.DMA,
        pltpu.SemaphoreType.DMA,
        pltpu.SemaphoreType.DMA,
        pltpu.SemaphoreType.DMA,
        pltpu.SemaphoreType.DMA,
        pltpu.SemaphoreType.DMA,
    ],
)(_gather_body)


def kernel(x, table, W, b):
    y = _fold_table(table, W, b)
    xp = jnp.concatenate(
        [x[:, :_H0], x[:, _O1:_O1 + _H1], x[:, _OT:],
         jnp.zeros((_B, _RSP - _RS - _HT), jnp.int32)],
        axis=1).reshape(_B * _RSP)
    return _gather_call(y, xp)

# --- scband reference (transcript-rebuilt; emitter-appended) ---
"""Pipeline reference for scband-promot-embedding-21122649162613 (READ-ONLY COPY).

The authoritative reference and input builder live on the scoring server;
editing this copy changes nothing except your own understanding.
"""

import jax, jax.numpy as jnp
import numpy as np

PROMPT_LEN = 100
EMB = 768
B, L = 4096, 100


def setup_inputs(seed: int = 0) -> dict:
    key = jax.random.key(seed)
    k1, k2, k3, k4 = jax.random.split(key, 4)
    x = jax.random.randint(k1, (B, L), 0, PROMPT_LEN, dtype=jnp.int32)
    table = jax.random.normal(k2, (PROMPT_LEN, EMB), dtype=jnp.float32)
    W = jax.random.normal(k3, (EMB, EMB), dtype=jnp.float32) * 0.02
    b = jnp.zeros((EMB,), dtype=jnp.float32)
    return {"x": x, "table": table, "W": W, "b": b}


def reference(x, table, W, b):
    # nn.Embedding: gather rows of table
    h = jnp.take(table, x, axis=0)  # [B, L, EMB]
    # nn.Linear: y = h @ W.T + b
    h = jnp.einsum('ble,oe->blo', h, W) + b
    # nn.GELU (exact, erf-based by default in torch)
    return jax.nn.gelu(h, approximate=False)

if __name__ == "__main__":
    import jax
    _d = setup_inputs()
    print(jax.jit(kernel)(*tuple(_d.values())))

</pallas_src>

<mosaic_0001>
#map = affine_map<(d0, d1) -> (0, 0)>
#map1 = affine_map<(d0, d1) -> (0)>
#map2 = affine_map<(d0, d1) -> (0, 0, 0)>
module attributes {stable_mosaic.version = 14 : i64} {
  func.func @_gather_body(%arg0: i32, %arg1: i32, %arg2: memref<128x768xf32, #tpu.memory_space<hbm>>, %arg3: memref<491520xi32, #tpu.memory_space<hbm>>, %arg4: memref<4096x100x768xf32, #tpu.memory_space<hbm>>, %arg5: memref<15360xi32, #tpu.memory_space<vmem>>, %arg6: memref<48x768xf32, #tpu.memory_space<vmem>>, %arg7: memref<64x768xf32, #tpu.memory_space<vmem>>, %arg8: memref<4x768xf32, #tpu.memory_space<vmem>>, %arg9: memref<!tpu.dma_semaphore, #tpu.memory_space<semaphore_mem>>, %arg10: memref<!tpu.dma_semaphore, #tpu.memory_space<semaphore_mem>>, %arg11: memref<!tpu.dma_semaphore, #tpu.memory_space<semaphore_mem>>, %arg12: memref<!tpu.dma_semaphore, #tpu.memory_space<semaphore_mem>>, %arg13: memref<!tpu.dma_semaphore, #tpu.memory_space<semaphore_mem>>, %arg14: memref<!tpu.dma_semaphore, #tpu.memory_space<semaphore_mem>>) attributes {dimension_semantics = [#tpu.dimension_semantics<core_parallel>, #tpu.dimension_semantics<subcore_parallel>], iteration_bounds = array<i64: 2, 16>, scalar_prefetch = 0 : i64, scratch_operands = 10 : i64, tpu.core_type = #tpu.core_type<sc_vector_subcore>, window_params = [{transform_indices = #map}, {transform_indices = #map1}, {transform_indices = #map2}]} {
    %mul3A = arith.constant 2 : i32
    %mul3A_0 = arith.muli %arg1, %mul3A : i32
    %add3A = arith.addi %mul3A_0, %arg0 : i32
    %mul3A_1 = arith.constant 128 : i32
    %mul3A_2 = arith.muli %add3A, %mul3A_1 : i32
    %mul3A_3 = arith.constant 120 : i32
    %mul3A_4 = arith.muli %mul3A_2, %mul3A_3 : i32
    "tpu.region"() ({
      %run_scoped3A = tpu.sem_alloc : memref<!tpu.dma_semaphore, #tpu.memory_space<semaphore_mem>>
      %dma_start3A_32 = tpu.memref_slice %arg3[%mul3A_4] : memref<491520xi32, #tpu.memory_space<hbm>> -> memref<15360xi32, #tpu.memory_space<hbm>>
      %dma_start3A_33 = tpu.memref_slice %arg3[%mul3A_4] : memref<491520xi32, #tpu.memory_space<hbm>> -> memref<15360xi32, #tpu.memory_space<hbm>>
      tpu.enqueue_dma source(%dma_start3A_33 : memref<15360xi32, #tpu.memory_space<hbm>>) target(%arg5 : memref<15360xi32, #tpu.memory_space<vmem>>) target_semaphore(%run_scoped3A : memref<!tpu.dma_semaphore, #tpu.memory_space<semaphore_mem>>)
      %dma_wait3A_34 = tpu.memref_slice %arg3[%mul3A_4] : memref<491520xi32, #tpu.memory_space<hbm>> -> memref<15360xi32, #tpu.memory_space<hbm>>
      %dma_wait3A_35 = tpu.memref_slice %arg3[%mul3A_4] : memref<491520xi32, #tpu.memory_space<hbm>> -> memref<15360xi32, #tpu.memory_space<hbm>>
      tpu.wait_dma2 semaphore(%run_scoped3A : memref<!tpu.dma_semaphore, #tpu.memory_space<semaphore_mem>>) src(%dma_wait3A_35 : memref<15360xi32, #tpu.memory_space<hbm>>) dst(%arg5 : memref<15360xi32, #tpu.memory_space<vmem>>)
      tpu.yield
    }) : () -> ()
    %dma_start3A = arith.constant 0 : i32
    %dma_start3A_5 = tpu.memref_slice %arg5[%dma_start3A] : memref<15360xi32, #tpu.memory_space<vmem>> -> memref<48xi32, #tpu.memory_space<vmem>>
    %dma_start3A_6 = arith.constant 0 : i32
    %dma_start3A_7 = arith.constant 0 : i32
    %dma_start3A_8 = tpu.memref_slice %arg2[%dma_start3A_6, %dma_start3A_7] : memref<128x768xf32, #tpu.memory_space<hbm>> -> memref<128x768xf32, #tpu.memory_space<hbm>>
    tpu.enqueue_indirect_dma source(%dma_start3A_8 : memref<128x768xf32, #tpu.memory_space<hbm>>) target(%arg6 : memref<48x768xf32, #tpu.memory_space<vmem>>) offsets(%dma_start3A_5 : memref<48xi32, #tpu.memory_space<vmem>>) semaphore(%arg9 : memref<!tpu.dma_semaphore, #tpu.memory_space<semaphore_mem>>)
    %scan3A = arith.constant 0 : i32
    %scan3A_9 = arith.constant 128 : i32
    %scan3A_10 = arith.addi %scan3A, %scan3A_9 : i32
    %scan3A_11 = arith.constant 1 : i32
    scf.for %scan3A_32 = %scan3A to %scan3A_10 step %scan3A_11  : i32 {
      %mul3A_33 = arith.constant 1 : i32
      %mul3A_34 = arith.muli %scan3A_32, %mul3A_33 : i32
      %add3A_35 = arith.constant 0 : i32
      %add3A_36 = arith.addi %add3A_35, %mul3A_34 : i32
      %gt3A = arith.constant 0 : i32
      %gt3A_37 = arith.cmpi sgt, %add3A_36, %gt3A : i32
      %convert_element_type3A = arith.extui %gt3A_37 : i1 to i32
      %cond3A = arith.constant 0 : i32
      %cond3A_38 = arith.cmpi ne, %convert_element_type3A, %cond3A : i32
      scf.if %cond3A_38 {
        %sub3A = arith.constant 1 : i32
        %sub3A_123 = arith.subi %add3A_36, %sub3A : i32
        %add3A_124 = arith.addi %mul3A_2, %sub3A_123 : i32
        %dma_wait3A_125 = arith.constant 32 : i32
        %dma_wait3A_126 = arith.constant 0 : i32
        %dma_wait3A_127 = tpu.memref_slice %arg4[%add3A_124, %dma_wait3A_125, %dma_wait3A_126] : memref<4096x100x768xf32, #tpu.memory_space<hbm>> -> memref<1x64x768xf32, #tpu.memory_space<hbm>>
        %dma_wait3A_128 = tpu.memref_squeeze %dma_wait3A_127 : memref<1x64x768xf32, #tpu.memory_space<hbm>> -> memref<64x768xf32, #tpu.memory_space<hbm>>
        %dma_wait3A_129 = arith.constant 32 : i32
        %dma_wait3A_130 = arith.constant 0 : i32
        %dma_wait3A_131 = tpu.memref_slice %arg4[%add3A_124, %dma_wait3A_129, %dma_wait3A_130] : memref<4096x100x768xf32, #tpu.memory_space<hbm>> -> memref<1x64x768xf32, #tpu.memory_space<hbm>>
        %dma_wait3A_132 = tpu.memref_squeeze %dma_wait3A_131 : memref<1x64x768xf32, #tpu.memory_space<hbm>> -> memref<64x768xf32, #tpu.memory_space<hbm>>
        tpu.wait_dma2 semaphore(%arg12 : memref<!tpu.dma_semaphore, #tpu.memory_space<semaphore_mem>>) src(%arg7 : memref<64x768xf32, #tpu.memory_space<vmem>>) dst(%dma_wait3A_132 : memref<64x768xf32, #tpu.memory_space<hbm>>)
        %sub3A_133 = arith.constant 1 : i32
        %sub3A_134 = arith.subi %add3A_36, %sub3A_133 : i32
        %add3A_135 = arith.addi %mul3A_2, %sub3A_134 : i32
        %dma_wait3A_136 = arith.constant 96 : i32
        %dma_wait3A_137 = arith.constant 0 : i32
        %dma_wait3A_138 = tpu.memref_slice %arg4[%add3A_135, %dma_wait3A_136, %dma_wait3A_137] : memref<4096x100x768xf32, #tpu.memory_space<hbm>> -> memref<1x4x768xf32, #tpu.memory_space<hbm>>
        %dma_wait3A_139 = tpu.memref_squeeze %dma_wait3A_138 : memref<1x4x768xf32, #tpu.memory_space<hbm>> -> memref<4x768xf32, #tpu.memory_space<hbm>>
        %dma_wait3A_140 = arith.constant 96 : i32
        %dma_wait3A_141 = arith.constant 0 : i32
        %dma_wait3A_142 = tpu.memref_slice %arg4[%add3A_135, %dma_wait3A_140, %dma_wait3A_141] : memref<4096x100x768xf32, #tpu.memory_space<hbm>> -> memref<1x4x768xf32, #tpu.memory_space<hbm>>
        %dma_wait3A_143 = tpu.memref_squeeze %dma_wait3A_142 : memref<1x4x768xf32, #tpu.memory_space<hbm>> -> memref<4x768xf32, #tpu.memory_space<hbm>>
        tpu.wait_dma2 semaphore(%arg14 : memref<!tpu.dma_semaphore, #tpu.memory_space<semaphore_mem>>) src(%arg8 : memref<4x768xf32, #tpu.memory_space<vmem>>) dst(%dma_wait3A_143 : memref<4x768xf32, #tpu.memory_space<hbm>>)
      } else {
      }
      %mul3A_39 = arith.constant 120 : i32
      %mul3A_40 = arith.muli %add3A_36, %mul3A_39 : i32
      %add3A_41 = arith.constant 48 : i32
      %add3A_42 = arith.addi %mul3A_40, %add3A_41 : i32
      %dma_start3A_43 = tpu.memref_slice %arg5[%add3A_42] : memref<15360xi32, #tpu.memory_space<vmem>> -> memref<64xi32, #tpu.memory_space<vmem>>
      %dma_start3A_44 = arith.constant 0 : i32
      %dma_start3A_45 = arith.constant 0 : i32
      %dma_start3A_46 = tpu.memref_slice %arg2[%dma_start3A_44, %dma_start3A_45] : memref<128x768xf32, #tpu.memory_space<hbm>> -> memref<128x768xf32, #tpu.memory_space<hbm>>
      tpu.enqueue_indirect_dma source(%dma_start3A_46 : memref<128x768xf32, #tpu.memory_space<hbm>>) target(%arg7 : memref<64x768xf32, #tpu.memory_space<vmem>>) offsets(%dma_start3A_43 : memref<64xi32, #tpu.memory_space<vmem>>) semaphore(%arg10 : memref<!tpu.dma_semaphore, #tpu.memory_space<semaphore_mem>>)
      %mul3A_47 = arith.constant 120 : i32
      %mul3A_48 = arith.muli %add3A_36, %mul3A_47 : i32
      %add3A_49 = arith.constant 48 : i32
      %add3A_50 = arith.addi %mul3A_48, %add3A_49 : i32
      %add3A_51 = arith.constant 64 : i32
      %add3A_52 = arith.addi %add3A_50, %add3A_51 : i32
      %dma_start3A_53 = tpu.memref_slice %arg5[%add3A_52] : memref<15360xi32, #tpu.memory_space<vmem>> -> memref<4xi32, #tpu.memory_space<vmem>>
      %dma_start3A_54 = arith.constant 0 : i32
      %dma_start3A_55 = arith.constant 0 : i32
      %dma_start3A_56 = tpu.memref_slice %arg2[%dma_start3A_54, %dma_start3A_55] : memref<128x768xf32, #tpu.memory_space<hbm>> -> memref<128x768xf32, #tpu.memory_space<hbm>>
      tpu.enqueue_indirect_dma source(%dma_start3A_56 : memref<128x768xf32, #tpu.memory_space<hbm>>) target(%arg8 : memref<4x768xf32, #tpu.memory_space<vmem>>) offsets(%dma_start3A_53 : memref<4xi32, #tpu.memory_space<vmem>>) semaphore(%arg13 : memref<!tpu.dma_semaphore, #tpu.memory_space<semaphore_mem>>)
      %mul3A_57 = arith.constant 120 : i32
      %mul3A_58 = arith.muli %add3A_36, %mul3A_57 : i32
      %dma_wait3A_59 = tpu.memref_slice %arg5[%mul3A_58] : memref<15360xi32, #tpu.memory_space<vmem>> -> memref<48xi32, #tpu.memory_space<vmem>>
      %dma_wait3A_60 = arith.constant 0 : i32
      %dma_wait3A_61 = arith.constant 0 : i32
      %dma_wait3A_62 = tpu.memref_slice %arg2[%dma_wait3A_60, %dma_wait3A_61] : memref<128x768xf32, #tpu.memory_space<hbm>> -> memref<128x768xf32, #tpu.memory_space<hbm>>
      tpu.wait_indirect_dma semaphore(%arg9 : memref<!tpu.dma_semaphore, #tpu.memory_space<semaphore_mem>>) src(%dma_wait3A_62 : memref<128x768xf32, #tpu.memory_space<hbm>>) dst(%arg6 : memref<48x768xf32, #tpu.memory_space<vmem>>)
      %add3A_63 = arith.addi %mul3A_2, %add3A_36 : i32
      %dma_start3A_64 = arith.constant 0 : i32
      %dma_start3A_65 = arith.constant 0 : i32
      %dma_start3A_66 = tpu.memref_slice %arg4[%add3A_63, %dma_start3A_64, %dma_start3A_65] : memref<4096x100x768xf32, #tpu.memory_space<hbm>> -> memref<1x48x768xf32, #tpu.memory_space<hbm>>
      %dma_start3A_67 = tpu.memref_squeeze %dma_start3A_66 : memref<1x48x768xf32, #tpu.memory_space<hbm>> -> memref<48x768xf32, #tpu.memory_space<hbm>>
      %dma_start3A_68 = arith.constant 0 : i32
      %dma_start3A_69 = arith.constant 0 : i32
      %dma_start3A_70 = tpu.memref_slice %arg4[%add3A_63, %dma_start3A_68, %dma_start3A_69] : memref<4096x100x768xf32, #tpu.memory_space<hbm>> -> memref<1x48x768xf32, #tpu.memory_space<hbm>>
      %dma_start3A_71 = tpu.memref_squeeze %dma_start3A_70 : memref<1x48x768xf32, #tpu.memory_space<hbm>> -> memref<48x768xf32, #tpu.memory_space<hbm>>
      tpu.enqueue_dma source(%arg6 : memref<48x768xf32, #tpu.memory_space<vmem>>) target(%dma_start3A_71 : memref<48x768xf32, #tpu.memory_space<hbm>>) target_semaphore(%arg11 : memref<!tpu.dma_semaphore, #tpu.memory_space<semaphore_mem>>)
      %mul3A_72 = arith.constant 120 : i32
      %mul3A_73 = arith.muli %add3A_36, %mul3A_72 : i32
      %add3A_74 = arith.constant 48 : i32
      %add3A_75 = arith.addi %mul3A_73, %add3A_74 : i32
      %dma_wait3A_76 = tpu.memref_slice %arg5[%add3A_75] : memref<15360xi32, #tpu.memory_space<vmem>> -> memref<64xi32, #tpu.memory_space<vmem>>
      %dma_wait3A_77 = arith.constant 0 : i32
      %dma_wait3A_78 = arith.constant 0 : i32
      %dma_wait3A_79 = tpu.memref_slice %arg2[%dma_wait3A_77, %dma_wait3A_78] : memref<128x768xf32, #tpu.memory_space<hbm>> -> memref<128x768xf32, #tpu.memory_space<hbm>>
      tpu.wait_indirect_dma semaphore(%arg10 : memref<!tpu.dma_semaphore, #tpu.memory_space<semaphore_mem>>) src(%dma_wait3A_79 : memref<128x768xf32, #tpu.memory_space<hbm>>) dst(%arg7 : memref<64x768xf32, #tpu.memory_space<vmem>>)
      %add3A_80 = arith.addi %mul3A_2, %add3A_36 : i32
      %dma_start3A_81 = arith.constant 32 : i32
      %dma_start3A_82 = arith.constant 0 : i32
      %dma_start3A_83 = tpu.memref_slice %arg4[%add3A_80, %dma_start3A_81, %dma_start3A_82] : memref<4096x100x768xf32, #tpu.memory_space<hbm>> -> memref<1x64x768xf32, #tpu.memory_space<hbm>>
      %dma_start3A_84 = tpu.memref_squeeze %dma_start3A_83 : memref<1x64x768xf32, #tpu.memory_space<hbm>> -> memref<64x768xf32, #tpu.memory_space<hbm>>
      %dma_start3A_85 = arith.constant 32 : i32
      %dma_start3A_86 = arith.constant 0 : i32
      %dma_start3A_87 = tpu.memref_slice %arg4[%add3A_80, %dma_start3A_85, %dma_start3A_86] : memref<4096x100x768xf32, #tpu.memory_space<hbm>> -> memref<1x64x768xf32, #tpu.memory_space<hbm>>
      %dma_start3A_88 = tpu.memref_squeeze %dma_start3A_87 : memref<1x64x768xf32, #tpu.memory_space<hbm>> -> memref<64x768xf32, #tpu.memory_space<hbm>>
      tpu.enqueue_dma source(%arg7 : memref<64x768xf32, #tpu.memory_space<vmem>>) target(%dma_start3A_88 : memref<64x768xf32, #tpu.memory_space<hbm>>) target_semaphore(%arg12 : memref<!tpu.dma_semaphore, #tpu.memory_space<semaphore_mem>>)
      %mul3A_89 = arith.constant 120 : i32
      %mul3A_90 = arith.muli %add3A_36, %mul3A_89 : i32
      %add3A_91 = arith.constant 48 : i32
      %add3A_92 = arith.addi %mul3A_90, %add3A_91 : i32
      %add3A_93 = arith.constant 64 : i32
      %add3A_94 = arith.addi %add3A_92, %add3A_93 : i32
      %dma_wait3A_95 = tpu.memref_slice %arg5[%add3A_94] : memref<15360xi32, #tpu.memory_space<vmem>> -> memref<4xi32, #tpu.memory_space<vmem>>
      %dma_wait3A_96 = arith.constant 0 : i32
      %dma_wait3A_97 = arith.constant 0 : i32
      %dma_wait3A_98 = tpu.memref_slice %arg2[%dma_wait3A_96, %dma_wait3A_97] : memref<128x768xf32, #tpu.memory_space<hbm>> -> memref<128x768xf32, #tpu.memory_space<hbm>>
      tpu.wait_indirect_dma semaphore(%arg13 : memref<!tpu.dma_semaphore, #tpu.memory_space<semaphore_mem>>) src(%dma_wait3A_98 : memref<128x768xf32, #tpu.memory_space<hbm>>) dst(%arg8 : memref<4x768xf32, #tpu.memory_space<vmem>>)
      %add3A_99 = arith.addi %mul3A_2, %add3A_36 : i32
      %dma_start3A_100 = arith.constant 96 : i32
      %dma_start3A_101 = arith.constant 0 : i32
      %dma_start3A_102 = tpu.memref_slice %arg4[%add3A_99, %dma_start3A_100, %dma_start3A_101] : memref<4096x100x768xf32, #tpu.memory_space<hbm>> -> memref<1x4x768xf32, #tpu.memory_space<hbm>>
      %dma_start3A_103 = tpu.memref_squeeze %dma_start3A_102 : memref<1x4x768xf32, #tpu.memory_space<hbm>> -> memref<4x768xf32, #tpu.memory_space<hbm>>
      %dma_start3A_104 = arith.constant 96 : i32
      %dma_start3A_105 = arith.constant 0 : i32
      %dma_start3A_106 = tpu.memref_slice %arg4[%add3A_99, %dma_start3A_104, %dma_start3A_105] : memref<4096x100x768xf32, #tpu.memory_space<hbm>> -> memref<1x4x768xf32, #tpu.memory_space<hbm>>
      %dma_start3A_107 = tpu.memref_squeeze %dma_start3A_106 : memref<1x4x768xf32, #tpu.memory_space<hbm>> -> memref<4x768xf32, #tpu.memory_space<hbm>>
      tpu.enqueue_dma source(%arg8 : memref<4x768xf32, #tpu.memory_space<vmem>>) target(%dma_start3A_107 : memref<4x768xf32, #tpu.memory_space<hbm>>) target_semaphore(%arg14 : memref<!tpu.dma_semaphore, #tpu.memory_space<semaphore_mem>>)
      %add3A_108 = arith.addi %mul3A_2, %add3A_36 : i32
      %dma_wait3A_109 = arith.constant 0 : i32
      %dma_wait3A_110 = arith.constant 0 : i32
      %dma_wait3A_111 = tpu.memref_slice %arg4[%add3A_108, %dma_wait3A_109, %dma_wait3A_110] : memref<4096x100x768xf32, #tpu.memory_space<hbm>> -> memref<1x48x768xf32, #tpu.memory_space<hbm>>
      %dma_wait3A_112 = tpu.memref_squeeze %dma_wait3A_111 : memref<1x48x768xf32, #tpu.memory_space<hbm>> -> memref<48x768xf32, #tpu.memory_space<hbm>>
      %dma_wait3A_113 = arith.constant 0 : i32
      %dma_wait3A_114 = arith.constant 0 : i32
      %dma_wait3A_115 = tpu.memref_slice %arg4[%add3A_108, %dma_wait3A_113, %dma_wait3A_114] : memref<4096x100x768xf32, #tpu.memory_space<hbm>> -> memref<1x48x768xf32, #tpu.memory_space<hbm>>
      %dma_wait3A_116 = tpu.memref_squeeze %dma_wait3A_115 : memref<1x48x768xf32, #tpu.memory_space<hbm>> -> memref<48x768xf32, #tpu.memory_space<hbm>>
      tpu.wait_dma2 semaphore(%arg11 : memref<!tpu.dma_semaphore, #tpu.memory_space<semaphore_mem>>) src(%arg6 : memref<48x768xf32, #tpu.memory_space<vmem>>) dst(%dma_wait3A_116 : memref<48x768xf32, #tpu.memory_space<hbm>>)
      %add3A_117 = arith.constant 1 : i32
      %add3A_118 = arith.addi %add3A_36, %add3A_117 : i32
      %lt3A = arith.constant 128 : i32
      %lt3A_119 = arith.cmpi slt, %add3A_118, %lt3A : i32
      %convert_element_type3A_120 = arith.extui %lt3A_119 : i1 to i32
      %cond3A_121 = arith.constant 0 : i32
      %cond3A_122 = arith.cmpi ne, %convert_element_type3A_120, %cond3A_121 : i32
      scf.if %cond3A_122 {
        %add3A_123 = arith.constant 1 : i32
        %add3A_124 = arith.addi %add3A_36, %add3A_123 : i32
        %mul3A_125 = arith.constant 120 : i32
        %mul3A_126 = arith.muli %add3A_124, %mul3A_125 : i32
        %dma_start3A_127 = tpu.memref_slice %arg5[%mul3A_126] : memref<15360xi32, #tpu.memory_space<vmem>> -> memref<48xi32, #tpu.memory_space<vmem>>
        %dma_start3A_128 = arith.constant 0 : i32
        %dma_start3A_129 = arith.constant 0 : i32
        %dma_start3A_130 = tpu.memref_slice %arg2[%dma_start3A_128, %dma_start3A_129] : memref<128x768xf32, #tpu.memory_space<hbm>> -> memref<128x768xf32, #tpu.memory_space<hbm>>
        tpu.enqueue_indirect_dma source(%dma_start3A_130 : memref<128x768xf32, #tpu.memory_space<hbm>>) target(%arg6 : memref<48x768xf32, #tpu.memory_space<vmem>>) offsets(%dma_start3A_127 : memref<48xi32, #tpu.memory_space<vmem>>) semaphore(%arg9 : memref<!tpu.dma_semaphore, #tpu.memory_space<semaphore_mem>>)
      } else {
      }
    }
    %scan3A_12 = arith.constant 128 : i32
    %add3A_13 = arith.constant 127 : i32
    %add3A_14 = arith.addi %mul3A_2, %add3A_13 : i32
    %dma_wait3A = arith.constant 32 : i32
    %dma_wait3A_15 = arith.constant 0 : i32
    %dma_wait3A_16 = tpu.memref_slice %arg4[%add3A_14, %dma_wait3A, %dma_wait3A_15] : memref<4096x100x768xf32, #tpu.memory_space<hbm>> -> memref<1x64x768xf32, #tpu.memory_space<hbm>>
    %dma_wait3A_17 = tpu.memref_squeeze %dma_wait3A_16 : memref<1x64x768xf32, #tpu.memory_space<hbm>> -> memref<64x768xf32, #tpu.memory_space<hbm>>
    %dma_wait3A_18 = arith.constant 32 : i32
    %dma_wait3A_19 = arith.constant 0 : i32
    %dma_wait3A_20 = tpu.memref_slice %arg4[%add3A_14, %dma_wait3A_18, %dma_wait3A_19] : memref<4096x100x768xf32, #tpu.memory_space<hbm>> -> memref<1x64x768xf32, #tpu.memory_space<hbm>>
    %dma_wait3A_21 = tpu.memref_squeeze %dma_wait3A_20 : memref<1x64x768xf32, #tpu.memory_space<hbm>> -> memref<64x768xf32, #tpu.memory_space<hbm>>
    tpu.wait_dma2 semaphore(%arg12 : memref<!tpu.dma_semaphore, #tpu.memory_space<semaphore_mem>>) src(%arg7 : memref<64x768xf32, #tpu.memory_space<vmem>>) dst(%dma_wait3A_21 : memref<64x768xf32, #tpu.memory_space<hbm>>)
    %add3A_22 = arith.constant 127 : i32
    %add3A_23 = arith.addi %mul3A_2, %add3A_22 : i32
    %dma_wait3A_24 = arith.constant 96 : i32
    %dma_wait3A_25 = arith.constant 0 : i32
    %dma_wait3A_26 = tpu.memref_slice %arg4[%add3A_23, %dma_wait3A_24, %dma_wait3A_25] : memref<4096x100x768xf32, #tpu.memory_space<hbm>> -> memref<1x4x768xf32, #tpu.memory_space<hbm>>
    %dma_wait3A_27 = tpu.memref_squeeze %dma_wait3A_26 : memref<1x4x768xf32, #tpu.memory_space<hbm>> -> memref<4x768xf32, #tpu.memory_space<hbm>>
    %dma_wait3A_28 = arith.constant 96 : i32
    %dma_wait3A_29 = arith.constant 0 : i32
    %dma_wait3A_30 = tpu.memref_slice %arg4[%add3A_23, %dma_wait3A_28, %dma_wait3A_29] : memref<4096x100x768xf32, #tpu.memory_space<hbm>> -> memref<1x4x768xf32, #tpu.memory_space<hbm>>
    %dma_wait3A_31 = tpu.memref_squeeze %dma_wait3A_30 : memref<1x4x768xf32, #tpu.memory_space<hbm>> -> memref<4x768xf32, #tpu.memory_space<hbm>>
    tpu.wait_dma2 semaphore(%arg14 : memref<!tpu.dma_semaphore, #tpu.memory_space<semaphore_mem>>) src(%arg8 : memref<4x768xf32, #tpu.memory_space<vmem>>) dst(%dma_wait3A_31 : memref<4x768xf32, #tpu.memory_space<hbm>>)
    return
  }
}

module attributes {stable_mosaic.version = 14 : i64} {
  func.func @_y_body(%arg0: memref<128x768xf32, #tpu.memory_space<vmem>>, %arg1: memref<768x768xf32, #tpu.memory_space<vmem>>, %arg2: memref<1x768xf32, #tpu.memory_space<vmem>>, %arg3: memref<128x768xf32, #tpu.memory_space<vmem>>) attributes {dimension_semantics = [], scalar_prefetch = 0 : i64, scratch_operands = 0 : i64, tpu.core_type = #tpu.core_type<tc>} {
    %get3A = arith.constant 0 : index
    %get3A_0 = arith.constant 0 : index
    %get3A_1 = vector.load %arg0[%get3A, %get3A_0] : memref<128x768xf32, #tpu.memory_space<vmem>>, vector<128x768xf32>
    %get3A_2 = arith.constant 0 : index
    %get3A_3 = arith.constant 0 : index
    %get3A_4 = vector.load %arg1[%get3A_2, %get3A_3] : memref<768x768xf32, #tpu.memory_space<vmem>>, vector<768x768xf32>
    %dot_general3A = arith.constant dense<0.000000e+00> : vector<128x768xf32>
    %dot_general3A_5 = tpu.matmul %get3A_1, %get3A_4, %dot_general3A {dimension_numbers = #tpu.dot_dimension_numbers<[1], [1], [0], [0], [0, 0, 1, 0], [], []>, transpose_lhs_hint = false} : vector<128x768xf32>, vector<768x768xf32>, vector<128x768xf32> -> vector<128x768xf32>
    %get3A_6 = arith.constant 0 : index
    %get3A_7 = arith.constant 0 : index
    %get3A_8 = vector.load %arg2[%get3A_6, %get3A_7] : memref<1x768xf32, #tpu.memory_space<vmem>>, vector<1x768xf32>
    %add3A = vector.broadcast %get3A_8 : vector<1x768xf32> to vector<128x768xf32>
    %add3A_9 = arith.addf %dot_general3A_5, %add3A : vector<128x768xf32>
    %mul3A = arith.constant 5.000000e-01 : f32
    %mul3A_10 = vector.broadcast %mul3A : f32 to vector<128x768xf32>
    %mul3A_11 = arith.mulf %mul3A_10, %add3A_9 : vector<128x768xf32>
    %mul3A_12 = arith.constant 0.707106769 : f32
    %mul3A_13 = vector.broadcast %mul3A_12 : f32 to vector<128x768xf32>
    %mul3A_14 = arith.mulf %add3A_9, %mul3A_13 : vector<128x768xf32>
    %erf3A = math.erf %mul3A_14 : vector<128x768xf32>
    %add3A_15 = arith.constant 1.000000e+00 : f32
    %add3A_16 = vector.broadcast %add3A_15 : f32 to vector<128x768xf32>
    %add3A_17 = arith.addf %add3A_16, %erf3A : vector<128x768xf32>
    %mul3A_18 = arith.mulf %mul3A_11, %add3A_17 : vector<128x768xf32>
    %swap3A = arith.constant 0 : index
    %swap3A_19 = arith.constant 0 : index
    %swap3A_20 = vector.load %arg3[%swap3A, %swap3A_19] : memref<128x768xf32, #tpu.memory_space<vmem>>, vector<128x768xf32>
    tpu.vector_store %arg3[%swap3A, %swap3A_19], %mul3A_18 {strides = array<i32>} : memref<128x768xf32, #tpu.memory_space<vmem>>, vector<128x768xf32>,
    return
  }
}

</mosaic_0001>

<sc_bundles>
// kernel: kernel.4.cloned.1.call-start
scs
__scs_entry_jumppad:
0x0: {  	(pc) =	sbr.rel $0x88, $3  }
0x1: {  	(tag) =	ssettag $0x0;
	lr =	simm.s32 $0x1  }
0x2: {  	[smem:$0x3F9D] =	sst lr;
	_ =	strace $0xD0000000  }
0x3: {  	_ = 	snop  }
0x4: {  	_ = 	snop  }
0x5: {  	_ = 	snop  }
0x6: {  	_ = 	snop  }
0x7: {  	_ = 	snop  }
__scs_overlays_trampoline_lowered:
0x8: {  	[smem:$0x3FAC] =	sst s0  }
0x9: {  	[smem:$0x3FAD] =	sst s1  }
0xa: {  	[smem:$0x3FAE] =	sst s2  }
0xb: {  	[smem:$0x3FAF] =	sst s3  }
0xc: {  	[smem:$0x3FB0] =	sst s4  }
0xd: {  	[smem:$0x3FB1] =	sst s5  }
0xe: {  	[smem:$0x3FB2] =	sst s6  }
0xf: {  	[smem:$0x3FB3] =	sst s7  }
0x10: {  	[smem:$0x3FB4] =	sst s8  }
0x11: {  	[smem:$0x3FB5] =	sst s9;
	s0 =	simm.s32 @!p0 $0x0  }
0x12: {  	s1 =	sld [smem:$0x3F9B];
	s0 =	simm.s32 @p0 $0x1  }
0x13: {  	[smem:$0x3FB6] =	sst s0;
	s0 =	simm.s32 @!p1 $0x0  }
0x14: {  	s2 =	sld [smem:$0x3F9A];
	s0 =	simm.s32 @p1 $0x1  }
0x15: {  	[smem:$0x3FB7] =	sst s0;
	s0 =	simm.s32 @!p2 $0x0  }
0x16: {  	s3 =	sld [smem:$0x3FDB];
	s0 =	simm.s32 @p2 $0x1  }
0x17: {  	s4 =	simm.s32 $0x1BF5;
	[smem:$0x3FB9] =	sst s0  }
0x18: {  	s0 =	sld [smem:$0x3F9C];
	_ =	swait.ge [sflag:s4], $0x0  }
0x19: {  	s7 =	sld [smem:$0x3F9D]  }
0x1a: {  	s8 =	sadd.s32 $0xFFFFE003, lr  }
0x1b: {  	s9 =	sadd.s32 $0xFFFFFEF7, lr;
	s5 =	simm.s32 $0xFFFFFFFF;
	p2 =	slt.u32 s8, $0xFFFFF086  }
0x1c: {  	p1 =	slt.u32 s9, $0xF7A;
	s5 =	simm.s32 @!p2 $0x0  }
0x1d: {  	s5 =	simm.s32 @p1 $0x1;
	p0 =	seq.s32 s7, s2  }
0x1e: {  	s7 =	smul.u32 @!p0 $0xF7A, s2;
	p2 =	seq.s32 @!p0 s5, $0x0  }
0x1f: {  	s9 =	smul.u32 $0xF7A, s1;
	s8 =	simm.s32 @!p0 $0x1BF5;
	p2 =	por !p2, p0  }
0x20: {  	[sflag:s8] =	ssyncset.s32 @!p0 $0xFFFFF086;
	s6 =	sadd.s32 @!p0 s3, s7;
	s7 =	simm.s32 @!p0 $0x108  }
0x21: {  	s3 =	sadd.s32 s3, s9;
	s6 =	sadd.s32 @!p0 $0x88, s6;
	s7 =	simm.s32 @p2 $0x1082  }
0x22: {  	[simem:s7], [sflag:s8] =	dma.local @!p0 [hbm:s6], $0xF7A  }
0x23: {  	s9 =	sor.u32 $0xD0000000, s2;
	s6 =	simm.s32 $0x108;
	_ =	swait.ge @!p0 [sflag:s8], $0x0  }
0x24: {  	s3 =	sadd.s32 $0x88, s3;
	s6 =	simm.s32 @!p1 $0x1082;
	[sflag:s4] =	ssyncset.s32 $0xFFFFF086  }
0x25: {  	[simem:s6], [sflag:s4] =	dma.local [hbm:s3], $0xF7A  }
0x26: {  	[smem:$0x3F9D] =	sst s1;
	(tag) =	ssettag s2;
	_ =	strace s9  }
0x27: {  	s1 =	sld [smem:$0x3FAD]  }
0x28: {  	s2 =	sld [smem:$0x3FAE]  }
0x29: {  	s4 =	sld [smem:$0x3FB0]  }
0x2a: {  	p0 =	seq.s32 s5, $0x0;
	s5 =	sld [smem:$0x3FB1]  }
0x2b: {  	s6 =	sld [smem:$0x3FB2]  }
0x2c: {  	s7 =	sld [smem:$0x3FB3]  }
0x2d: {  	s3 =	simm.s32 $0x108;
	s8 =	sld [smem:$0x3FB4]  }
0x2e: {  	s3 =	simm.s32 @!p0 $0x1082;
	s9 =	sld [smem:$0x3FB5]  }
0x2f: {  	lr =	sadd.s32 s0, s3;
	s0 =	sld [smem:$0x3FAC]  }
0x30: {  	s3 =	sld [smem:$0x3FAF]  }
0x31: {  	[smem:$0x3FB8] =	sst s10  }
0x32: {  	s10 =	sld [smem:$0x3FB6];
	_ =	sdelay $0x3  }
0x33: {  	p0 =	seq.s32 s10, $0x1;
	s10 =	sld [smem:$0x3FB8];
	_ =	sdelay $0x3  }
0x34: {  	[smem:$0x3FB8] =	sst s10  }
0x35: {  	s10 =	sld [smem:$0x3FB7];
	_ =	sdelay $0x3  }
0x36: {  	p1 =	seq.s32 s10, $0x1;
	s10 =	sld [smem:$0x3FB8];
	_ =	sdelay $0x3  }
0x37: {  	[smem:$0x3FB8] =	sst s10  }
0x38: {  	s10 =	sld [smem:$0x3FB9]  }
0x39: {  	_ = 	snop;
	(pc) =	sbr.ind lr, $3  }
0x3a: {  	_ = 	snop  }
0x3b: {  	_ = 	snop  }
0x3c: {  	p2 =	seq.s32 s10, $0x1;
	s10 =	sld [smem:$0x3FB8]  }
0x3d: {  	_ =	shalt  }
0x3e: {  	_ =	shalt  }
0x3f: {  	_ =	shalt  }
0x40: {  	_ =	shalt  }
0x41: {  	_ =	shalt  }
0x42: {  	_ =	shalt  }
0x43: {  	_ =	shalt  }
0x44: {  	_ =	shalt  }
0x45: {  	_ =	shalt  }
0x46: {  	_ =	shalt  }
0x47: {  	_ =	shalt  }
0x48: {  	_ =	shalt  }
0x49: {  	_ =	shalt  }
0x4a: {  	_ =	shalt  }
0x4b: {  	_ =	shalt  }
0x4c: {  	_ =	shalt  }
0x4d: {  	_ =	shalt  }
0x4e: {  	_ =	shalt  }
0x4f: {  	_ =	shalt  }
0x50: {  	_ =	shalt  }
0x51: {  	_ =	shalt  }
0x52: {  	_ =	shalt  }
0x53: {  	_ =	shalt  }
0x54: {  	_ =	shalt  }
0x55: {  	_ =	shalt  }
0x56: {  	_ =	shalt  }
0x57: {  	_ =	shalt  }
0x58: {  	_ =	shalt  }
0x59: {  	_ =	shalt  }
0x5a: {  	_ =	shalt  }
0x5b: {  	_ =	shalt  }
0x5c: {  	_ =	shalt  }
0x5d: {  	_ =	shalt  }
0x5e: {  	_ =	shalt  }
0x5f: {  	_ =	shalt  }
0x60: {  	_ =	shalt  }
0x61: {  	_ =	shalt  }
0x62: {  	_ =	shalt  }
0x63: {  	_ =	shalt  }
0x64: {  	_ =	shalt  }
0x65: {  	_ =	shalt  }
0x66: {  	_ =	shalt  }
0x67: {  	_ =	shalt  }
0x68: {  	_ =	shalt  }
0x69: {  	_ =	shalt  }
0x6a: {  	_ =	shalt  }
0x6b: {  	_ =	shalt  }
0x6c: {  	_ =	shalt  }
0x6d: {  	_ =	shalt  }
0x6e: {  	_ =	shalt  }
0x6f: {  	_ =	shalt  }
0x70: {  	_ =	shalt  }
0x71: {  	_ =	shalt  }
0x72: {  	_ =	shalt  }
0x73: {  	_ =	shalt  }
0x74: {  	_ =	shalt  }
0x75: {  	_ =	shalt  }
0x76: {  	_ =	shalt  }
0x77: {  	_ =	shalt  }
0x78: {  	_ =	shalt  }
0x79: {  	_ =	shalt  }
0x7a: {  	_ =	shalt  }
0x7b: {  	_ =	shalt  }
0x7c: {  	_ =	shalt  }
0x7d: {  	_ =	shalt  }
0x7e: {  	_ =	shalt  }
0x7f: {  	_ =	shalt  }
0x80: {  	_ =	shalt  }
0x81: {  	_ =	shalt  }
0x82: {  	_ =	shalt  }
0x83: {  	_ =	shalt  }
0x84: {  	_ =	shalt  }
0x85: {  	_ =	shalt  }
0x86: {  	_ =	shalt  }
0x87: {  	_ =	shalt  }
.Lfunc_end0:
.L_simem_size_0:
called_computation_lowered:
.L_overlay_start_0:
0x88: {  	s2 =	sld [smem:$0x3FD9]  }
0x89: {  	s3 =	sld [smem:$0x3FFE];
	_ =	sdelay $0x1  }
0x8a: {  	s1 =	srdreg.scid  }
0x8b: {  	s0 =	sand.u32 $0x1, s1  }
0x8c: {  	s17 =	sshll.u32 s0, $0xA;
	s2 =	sadd.s32 s3, s2  }
0x8d: {  	s2 =	sadd.s32 s2, s17  }
0x8e: {  	[smem:$0x3FC4] =	sst s2  }
0x8f: {  	_ = 	snop  }
0x90: {  	s2 =	sld [smem:$0x3FD0];
	(tm) =	ssettm $0x1  }
0x91: {  	s18 =	sld [smem:$0x3FFB];
	_ =	sdelay $0x3  }
0x92: {  	_ =	strace s18  }
0x93: {  	s3 =	sld [smem:$0x3FFC];
	_ =	sdelay $0x3  }
0x94: {  	_ =	strace s3  }
0x95: {  	s3 =	sld [smem:$0x3FFD];
	_ =	sdelay $0x3  }
0x96: {  	_ =	strace s3  }
0x97: {  	_ =	strace $0x8FFFFFFF  }
0x98: {  	s19 =	sld [smem:$0x3FDB];
	_ =	sdelay $0x1  }
0x99: {  	s4 =	simm.s32 $_scs_section_size  }
0x9a: {  	s5 =	simm.s32 $_size__tile_overlayer_lowered;
	s6 =	simm.s32 $_tile_overlayer_lowered  }
0x9b: {  	s22 =	simm.s32 $0x1BFF;
	s21 =	sshll.u32 s6, $0x1;
	s3 =	sadd.s32 s4, s19  }
0x9c: {  	s7 =	simm.s32 $0x0;
	s20 =	sshll.u32 s5, $0x1;
	s5 =	sadd.s32 s21, s3  }
0x9d: {  	[timem:s7], [sflag:s22] =	dma.local [hbm:s5], s20  }
0x9e: {  	_ =	swait.ge [sflag:s22], s20  }
0x9f: {  	s4 =	ssub.s32 $0x0, s20;
	[sflag:s22] =	ssyncset.done $0x0  }
0xa0: {  	[sflag:s22] =	ssyncadd.s32 s4;
	_ =	sdelay $0x1  }
0xa1: {  	s23 =	simm.s32 $0x1B8B  }
0xa2: {  	_ =	swait.ge [sflag:s23], $0x1  }
0xa3: {  	[sflag:s23] =	ssyncset.done $0x0  }
0xa4: {  	s25 =	simm.s32 $0x1B8E;
	s24 =	sld [smem:$0x3FFE];
	[sflag:s23] =	ssyncadd.s32 $0xFFFFFFFF  }
0xa5: {  	s26 =	simm.s32 $execute0_lowered;
	[smem:$0x3FD2] =	sst s25  }
0xa6: {  	s5 =	sshll.u32 s26, $0x1;
	_ =	strace $0x80000046;
	[dreg:$0x1] =	wrdreg $0xFFFFFFFF  }
0xa7: {  	s28 =	simm.s32 $_size_execute0_lowered;
	s3 =	sadd.s32 s3, s5;
	[dreg:$0x0] =	wrdreg $0x0  }
0xa8: {  	s5 =	sshll.u32 s28, $0x1;
	[dreg:$0x2] =	wrdreg s3  }
0xa9: {  	[dreg:$0x3] =	wrdreg s5  }
0xaa: {  	[dreg:$0x4] =	wrdreg $0xC0  }
0xab: {  	_ =	task [dreg:s7], $0x5FFFF  }
0xac: {  	[dreg:$0x1] =	wrdreg $0xFFFFFFFF  }
0xad: {  	[dreg:$0x0] =	wrdreg $0x60  }
0xae: {  	[dreg:$0x2] =	wrdreg s24  }
0xaf: {  	[dreg:$0x3] =	wrdreg s2  }
0xb0: {  	[dreg:$0x4] =	wrdreg $0x9  }
0xb1: {  	_ =	task.clear_ibuf [dreg:s7], $0x5FFFF;
	_ =	strace $0x90000046  }
0xb2: {  	s29 =	simm.s32 $0x9;
	_ =	strace $0x80000048  }
0xb3: {  	_ =	swait.ge [sflag:s29], $0x1  }
0xb4: {  	[sflag:s29] =	ssyncadd.s32 $0xFFFFFFFF  }
0xb5: {  	_ =	strace $0x90000048  }
0xb6: {  	_ =	sfence  }
0xb7: {  	s30 =	sld [smem:$0x0];
	_ =	sdelay $0x2  }
0xb8: {  	s31 =	sshll.u32 s1, $0xD;
	s1 =	sshrl.u32 s1, $0x2  }
0xb9: {  	s3 =	sand.u32 $0x4000, s31;
	s1 =	sadd.s32 s1, s30  }
0xba: {  	s0 =	sor.u32 s3, s0;
	s1 =	sshll.u32 s1, $0x11  }
0xbb: {  	s0 =	sor.u32 s1, s0  }
0xbc: {  	s0 =	sadd.s32 $0x8F2B, s0  }
0xbd: {  	[sflag:s0] =	ssyncadd.remote.s32 $0x1  }
0xbe: {  	_ =	sfence.sel $0xFFFF  }
0xbf: {  	[dreg:$0x0] =	wrdreg $0xFFFFFFFF;
	(pc) =	sbr.abs _section_cstart, $3  }
0xc0: {  	[dreg:$0x1] =	wrdreg $0xFFFFFFFF  }
0xc1: {  	_ =	task.clear_ibuf [dreg:s7], $0x2FFFF;
	_ =	strace $0x9FFFFFFF  }
0xc2: {  	(tm) =	ssettm $0x7FFFFFFF  }
0xc3: {  	_ =	shalt  }
tec
execute0_lowered:
.L_overlay_start_1:
0x0: {  	(tag) =	ssettag $0x1  }
0x1: {  	s0 =	rddreg [dreg:$0x0];
	s1 =	srdreg.scid  }
0x2: {  	s7 =	stileid.u32;
	s4 =	rddreg [dreg:$0x1];
	s2 =	simm.s32 $0x0  }
0x3: {  	s22 =	simm.s32 $0x3C00;
	s31 =	simm.s32 $0xCC00;
	s13 =	simm.s32 $0x1  }
0x4: {  	s14 =	simm.s32 $0x2;
	s15 =	simm.s32 $0x5;
	s18 =	simm.s32 $0x3  }
0x5: {  	s16 =	simm.s32 $0x13400;
	s17 =	simm.s32 $0x13C00;
	s28 =	simm.s32 $0x16400  }
0x6: {  	s29 =	simm.s32 $0x16C00;
	s30 =	simm.s32 $0x17400;
	s11 =	simm.s32 $0x19400  }
0x7: {  	s12 =	simm.s32 $0x200;
	s1 =	sand.u32 $0x1, s1;
	s3 =	sshll.u32 s7, $0x1  }
0x8: {  	[smem:$0x7FF] =	sst s2;
	s7 =	smul.u32 $0x1380000, s7;
	s10 =	sadd.s32 $0x4400, s0  }
0x9: {  	s3 =	sor.u32 s1, s3;
	s6 =	ssub.s32 $0x2, s1;
	s1 =	smul.u32 $0x9C0000, s1  }
0xa: {  	_ =	strace $0x80000047;
	s5 =	smul.u32 $0x780, s3;
	s8 =	sshrl.u32 s6, $0x1  }
0xb: {  	s3 =	sadd.s32 $0x1400, s0;
	s8 =	ssub.s32 s6, s8;
	s6 =	sadd.s32 $0x1600, s0  }
0xc: {  	s23 =	sadd.s32 s1, s7;
	s7 =	simm.s32 $0x18400;
	s4 =	sadd.s32 s4, s5  }
0xd: {  	s5 =	sadd.s32 $0x1500, s0;
	s24 =	smax.u32 s8, $0x1;
	s25 =	sor.u32 $0x6000, s23  }
0xe: {  	s26 =	sor.u32 $0x12000, s23;
	s0 =	sshrl.u32 s23, $0x3;
	[dreg:$0x3] =	wrdreg s4  }
0xf: {  	v3 =	vlaneseq.u32;
	s23 =	simm.s32 $0x14400;
	[dreg:$0x4] =	wrdreg s24;
	s1 =	sshrl.u32 s25, $0x3  }
0x10: {  	vm0 =	vmmov $0xffff;
	vm1 =	vmmov $0xff;
	v1 =	vshrl.u32 v3, $0x3;
	s4 =	sshrl.u32 s26, $0x3;
	s8 =	sadd.s32 s0, s10;
	s24 =	simm.s32 $0x14C00  }
0x11: {  	v0 =	vand.u32 $0x7, v3;
	v2 =	vor.u32 $0x8, v3;
	v4 =	vshrl.u32 v3, $0x2;
	s25 =	simm.s32 $0x15400;
	s26 =	simm.s32 $0x15C00;
	s9 =	sadd.s32 s1, s10  }
0x12: {  	v3 =	vand.u32 $0x3, v3;
	v1 =	vmul.u32 $0x8, v1;
	v4 =	vmul.u32 $0x8, v4;
	s10 =	sadd.s32 s4, s10;
	s1 =	simm.s32 $0x18C00;
	s4 =	simm.s32 $0x0  }
.LBB2_1:
0x13: {  	[dreg:$0x5] =	wrdreg s4  }
0x14: {  	s19 =	rddreg [dreg:$0x3];
	s20 =	simm.s32 $0x7  }
0x15: {  	[tilespmem:s2], [sflag:$0x7] =	stream.linear.gather [hbm4b:s19+s2], $0x3C00, $0x38;
	[tilespmem:$0x19800] =	vst v63  }
0x16: {  	_ =	swait.ge [sflag:s20], $0x3C00  }
0x17: {  	[sflag:s20] =	ssyncset.done $0x0  }
0x18: {  	[sflag:s20] =	ssyncadd.s32 $0xFFFFC400  }
0x19: {  	v5 =	vld [tilespmem:$0x0];
	_ =	sdelay $0x4  }
0x1a: {  	v6 =	vshrl.u32 v5, $0x3  }
0x1b: {  	v6 =	vmul.u32 $0x30, v6  }
0x1c: {  	v5 =	vand.u32 $0x7, v5  }
0x1d: {  	v5 =	vor.u32 v5, v6  }
0x1e: {  	v6 =	vperm.xlane v5, v0;
	_ =	sdelay $0x1  }
0x1f: {  	v6 =	vadd.s32 v1, v6;
	_ =	sdelay $0x3  }
0x20: {  	v5 =	vperm.xlane v5, v2  }
0x21: {  	[tilespmem:s22], [sflag:$0x1] =	stream.indirect_vreg.gather [hbm4b:s3+s2], $0x80, v6, vm0, $0xb8;
	[tilespmem:$0x19800] =	vst v63  }
0x22: {  	s21 =	simm.s32 $0x4400;
	v5 =	vadd.s32 v1, v5  }
0x23: {  	[tilespmem:s21], [sflag:$0x1] =	stream.indirect_vreg.gather [hbm4b:s5+s2], $0x80, v6, vm0, $0xb8;
	[tilespmem:$0x19800] =	vst v63  }
0x24: {  	s0 =	simm.s32 $0x4C00  }
0x25: {  	[tilespmem:s0], [sflag:$0x1] =	stream.indirect_vreg.gather [hbm4b:s6+s2], $0x80, v6, vm0, $0xb8;
	[tilespmem:$0x19800] =	vst v63  }
0x26: {  	s4 =	simm.s32 $0x5400  }
0x27: {  	[tilespmem:s4], [sflag:$0x1] =	stream.indirect_vreg.gather [hbm4b:s3+s2], $0x80, v5, vm0, $0xb8;
	[tilespmem:$0x19800] =	vst v63  }
0x28: {  	s20 =	simm.s32 $0x5C00  }
0x29: {  	[tilespmem:s20], [sflag:$0x1] =	stream.indirect_vreg.gather [hbm4b:s5+s2], $0x80, v5, vm0, $0xb8;
	[tilespmem:$0x19800] =	vst v63  }
0x2a: {  	s21 =	simm.s32 $0x6400  }
0x2b: {  	[tilespmem:s21], [sflag:$0x1] =	stream.indirect_vreg.gather [hbm4b:s6+s2], $0x80, v5, vm0, $0xb8;
	[tilespmem:$0x19800] =	vst v63  }
0x2c: {  	v5 =	vld [tilespmem:$0x10];
	_ =	sdelay $0x4  }
0x2d: {  	v6 =	vshrl.u32 v5, $0x3  }
0x2e: {  	v6 =	vmul.u32 $0x30, v6  }
0x2f: {  	v5 =	vand.u32 $0x7, v5  }
0x30: {  	v5 =	vor.u32 v5, v6  }
0x31: {  	v6 =	vperm.xlane v5, v0;
	_ =	sdelay $0x1  }
0x32: {  	v6 =	vadd.s32 v1, v6;
	_ =	sdelay $0x3  }
0x33: {  	s0 =	simm.s32 $0x6C00;
	v5 =	vperm.xlane v5, v2  }
0x34: {  	[tilespmem:s0], [sflag:$0x1] =	stream.indirect_vreg.gather [hbm4b:s3+s2], $0x80, v6, vm0, $0xb8;
	[tilespmem:$0x19800] =	vst v63  }
0x35: {  	s4 =	simm.s32 $0x7400;
	v5 =	vadd.s32 v1, v5  }
0x36: {  	[tilespmem:s4], [sflag:$0x1] =	stream.indirect_vreg.gather [hbm4b:s5+s2], $0x80, v6, vm0, $0xb8;
	[tilespmem:$0x19800] =	vst v63  }
0x37: {  	s20 =	simm.s32 $0x7C00  }
0x38: {  	[tilespmem:s20], [sflag:$0x1] =	stream.indirect_vreg.gather [hbm4b:s6+s2], $0x80, v6, vm0, $0xb8;
	[tilespmem:$0x19800] =	vst v63  }
0x39: {  	s21 =	simm.s32 $0x8400  }
0x3a: {  	[tilespmem:s21], [sflag:$0x1] =	stream.indirect_vreg.gather [hbm4b:s3+s2], $0x80, v5, vm0, $0xb8;
	[tilespmem:$0x19800] =	vst v63  }
0x3b: {  	s0 =	simm.s32 $0x8C00  }
0x3c: {  	[tilespmem:s0], [sflag:$0x1] =	stream.indirect_vreg.gather [hbm4b:s5+s2], $0x80, v5, vm0, $0xb8;
	[tilespmem:$0x19800] =	vst v63  }
0x3d: {  	s4 =	simm.s32 $0x9400  }
0x3e: {  	[tilespmem:s4], [sflag:$0x1] =	stream.indirect_vreg.gather [hbm4b:s6+s2], $0x80, v5, vm0, $0xb8;
	[tilespmem:$0x19800] =	vst v63  }
0x3f: {  	v5 =	vld [tilespmem:$0x20];
	_ =	sdelay $0x4  }
0x40: {  	v6 =	vshrl.u32 v5, $0x3  }
0x41: {  	v6 =	vmul.u32 $0x30, v6  }
0x42: {  	v5 =	vand.u32 $0x7, v5  }
0x43: {  	v5 =	vor.u32 v5, v6  }
0x44: {  	v6 =	vperm.xlane v5, v0;
	_ =	sdelay $0x1  }
0x45: {  	v6 =	vadd.s32 v1, v6;
	_ =	sdelay $0x3  }
0x46: {  	s20 =	simm.s32 $0x9C00;
	v5 =	vperm.xlane v5, v2  }
0x47: {  	[tilespmem:s20], [sflag:$0x1] =	stream.indirect_vreg.gather [hbm4b:s3+s2], $0x80, v6, vm0, $0xb8;
	[tilespmem:$0x19800] =	vst v63  }
0x48: {  	s21 =	simm.s32 $0xA400;
	v5 =	vadd.s32 v1, v5  }
0x49: {  	[tilespmem:s21], [sflag:$0x1] =	stream.indirect_vreg.gather [hbm4b:s5+s2], $0x80, v6, vm0, $0xb8;
	[tilespmem:$0x19800] =	vst v63  }
0x4a: {  	s0 =	simm.s32 $0xAC00  }
0x4b: {  	[tilespmem:s0], [sflag:$0x1] =	stream.indirect_vreg.gather [hbm4b:s6+s2], $0x80, v6, vm0, $0xb8;
	[tilespmem:$0x19800] =	vst v63  }
0x4c: {  	s4 =	simm.s32 $0xB400  }
0x4d: {  	[tilespmem:s4], [sflag:$0x1] =	stream.indirect_vreg.gather [hbm4b:s3+s2], $0x80, v5, vm0, $0xb8;
	[tilespmem:$0x19800] =	vst v63  }
0x4e: {  	s19 =	simm.s32 $0x50;
	s20 =	simm.s32 $0xBC00;
	s21 =	simm.s32 $0xC400  }
0x4f: {  	[tilespmem:s20], [sflag:$0x1] =	stream.indirect_vreg.gather [hbm4b:s5+s2], $0x80, v5, vm0, $0xb8;
	[tilespmem:$0x19800] =	vst v63  }
0x50: {  	s0 =	simm.s32 $0x400;
	s4 =	simm.s32 $0x17C00;
	s20 =	simm.s32 $0x0  }
0x51: {  	[tilespmem:s21], [sflag:$0x1] =	stream.indirect_vreg.gather [hbm4b:s6+s2], $0x80, v5, vm0, $0xb8;
	[tilespmem:$0x19800] =	vst v63  }
.LBB2_2:
0x52: {  	p0 =	seq.s32 s20, $0x0  }
0x53: {  	s21 =	simm.s32 @!p0 $0x4  }
0x54: {  	_ =	swait.ge @!p0 [sflag:s21], $0xC000  }
0x55: {  	[sflag:s21] =	ssyncset.done @!p0 $0x0  }
0x56: {  	[sflag:s21] =	ssyncadd.s32 @!p0 $0xFFFF4000;
	s21 =	simm.s32 @!p0 $0x6  }
0x57: {  	_ =	swait.ge @!p0 [sflag:s21], $0xC00  }
0x58: {  	[sflag:s21] =	ssyncset.done @!p0 $0x0  }
0x59: {  	[sflag:s21] =	ssyncadd.s32 @!p0 $0xFFFFF400  }
0x5a: {  	v5 =	vld [tilespmem:s19+$0xFFFFFFE0];
	_ =	sdelay $0x4  }
0x5b: {  	v6 =	vshrl.u32 v5, $0x3  }
0x5c: {  	v6 =	vmul.u32 $0x30, v6  }
0x5d: {  	v5 =	vand.u32 $0x7, v5  }
0x5e: {  	v5 =	vor.u32 v5, v6  }
0x5f: {  	v6 =	vperm.xlane v5, v0;
	_ =	sdelay $0x1  }
0x60: {  	v6 =	vadd.s32 v1, v6;
	_ =	sdelay $0x3  }
0x61: {  	v5 =	vperm.xlane v5, v2  }
0x62: {  	[tilespmem:s31], [sflag:$0x2] =	stream.indirect_vreg.gather [hbm4b:s3+s2], $0x80, v6, vm0, $0xb8;
	[tilespmem:$0x19800] =	vst v63  }
0x63: {  	s21 =	simm.s32 $0xD400;
	v5 =	vadd.s32 v1, v5  }
0x64: {  	[tilespmem:s21], [sflag:$0x2] =	stream.indirect_vreg.gather [hbm4b:s5+s2], $0x80, v6, vm0, $0xb8;
	[tilespmem:$0x19800] =	vst v63  }
0x65: {  	s21 =	simm.s32 $0xDC00  }
0x66: {  	[tilespmem:s21], [sflag:$0x2] =	stream.indirect_vreg.gather [hbm4b:s6+s2], $0x80, v6, vm0, $0xb8;
	[tilespmem:$0x19800] =	vst v63  }
0x67: {  	s21 =	simm.s32 $0xE400  }
0x68: {  	[tilespmem:s21], [sflag:$0x2] =	stream.indirect_vreg.gather [hbm4b:s3+s2], $0x80, v5, vm0, $0xb8;
	[tilespmem:$0x19800] =	vst v63  }
0x69: {  	s21 =	simm.s32 $0xEC00  }
0x6a: {  	[tilespmem:s21], [sflag:$0x2] =	stream.indirect_vreg.gather [hbm4b:s5+s2], $0x80, v5, vm0, $0xb8;
	[tilespmem:$0x19800] =	vst v63  }
0x6b: {  	s21 =	simm.s32 $0xF400  }
0x6c: {  	[tilespmem:s21], [sflag:$0x2] =	stream.indirect_vreg.gather [hbm4b:s6+s2], $0x80, v5, vm0, $0xb8;
	[tilespmem:$0x19800] =	vst v63  }
0x6d: {  	v5 =	vld [tilespmem:s19+$0xFFFFFFF0];
	_ =	sdelay $0x4  }
0x6e: {  	v6 =	vshrl.u32 v5, $0x3  }
0x6f: {  	v6 =	vmul.u32 $0x30, v6  }
0x70: {  	v5 =	vand.u32 $0x7, v5  }
0x71: {  	v5 =	vor.u32 v5, v6  }
0x72: {  	v6 =	vperm.xlane v5, v0;
	_ =	sdelay $0x1  }
0x73: {  	v6 =	vadd.s32 v1, v6;
	_ =	sdelay $0x3  }
0x74: {  	s21 =	simm.s32 $0xFC00;
	v5 =	vperm.xlane v5, v2  }
0x75: {  	[tilespmem:s21], [sflag:$0x2] =	stream.indirect_vreg.gather [hbm4b:s3+s2], $0x80, v6, vm0, $0xb8;
	[tilespmem:$0x19800] =	vst v63  }
0x76: {  	v5 =	vadd.s32 v1, v5;
	s21 =	simm.s32 $0x10400  }
0x77: {  	[tilespmem:s21], [sflag:$0x2] =	stream.indirect_vreg.gather [hbm4b:s5+s2], $0x80, v6, vm0, $0xb8;
	[tilespmem:$0x19800] =	vst v63  }
0x78: {  	s21 =	simm.s32 $0x10C00  }
0x79: {  	[tilespmem:s21], [sflag:$0x2] =	stream.indirect_vreg.gather [hbm4b:s6+s2], $0x80, v6, vm0, $0xb8;
	[tilespmem:$0x19800] =	vst v63  }
0x7a: {  	s21 =	simm.s32 $0x11400  }
0x7b: {  	[tilespmem:s21], [sflag:$0x2] =	stream.indirect_vreg.gather [hbm4b:s3+s2], $0x80, v5, vm0, $0xb8;
	[tilespmem:$0x19800] =	vst v63  }
0x7c: {  	s21 =	simm.s32 $0x11C00  }
0x7d: {  	[tilespmem:s21], [sflag:$0x2] =	stream.indirect_vreg.gather [hbm4b:s5+s2], $0x80, v5, vm0, $0xb8;
	[tilespmem:$0x19800] =	vst v63  }
0x7e: {  	s21 =	simm.s32 $0x12400  }
0x7f: {  	[tilespmem:s21], [sflag:$0x2] =	stream.indirect_vreg.gather [hbm4b:s6+s2], $0x80, v5, vm0, $0xb8;
	[tilespmem:$0x19800] =	vst v63  }
0x80: {  	v5 =	vld [tilespmem:s19+$0x0];
	_ =	sdelay $0x4  }
0x81: {  	v6 =	vshrl.u32 v5, $0x3  }
0x82: {  	v6 =	vmul.u32 $0x30, v6  }
0x83: {  	v5 =	vand.u32 $0x7, v5  }
0x84: {  	v5 =	vor.u32 v5, v6  }
0x85: {  	v6 =	vperm.xlane v5, v0;
	_ =	sdelay $0x1  }
0x86: {  	v6 =	vadd.s32 v1, v6;
	_ =	sdelay $0x3  }
0x87: {  	s21 =	simm.s32 $0x12C00;
	v5 =	vperm.xlane v5, v2  }
0x88: {  	[tilespmem:s21], [sflag:$0x2] =	stream.indirect_vreg.gather [hbm4b:s3+s2], $0x80, v6, vm0, $0xb8;
	[tilespmem:$0x19800] =	vst v63  }
0x89: {  	v5 =	vadd.s32 v1, v5  }
0x8a: {  	[tilespmem:s16], [sflag:$0x2] =	stream.indirect_vreg.gather [hbm4b:s5+s2], $0x80, v6, vm0, $0xb8;
	[tilespmem:$0x19800] =	vst v63  }
0x8b: {  	_ = 	snop  }
0x8c: {  	[tilespmem:s17], [sflag:$0x2] =	stream.indirect_vreg.gather [hbm4b:s6+s2], $0x80, v6, vm0, $0xb8;
	[tilespmem:$0x19800] =	vst v63  }
0x8d: {  	_ = 	snop  }
0x8e: {  	[tilespmem:s23], [sflag:$0x2] =	stream.indirect_vreg.gather [hbm4b:s3+s2], $0x80, v5, vm0, $0xb8;
	[tilespmem:$0x19800] =	vst v63  }
0x8f: {  	_ = 	snop  }
0x90: {  	[tilespmem:s24], [sflag:$0x2] =	stream.indirect_vreg.gather [hbm4b:s5+s2], $0x80, v5, vm0, $0xb8;
	[tilespmem:$0x19800] =	vst v63  }
0x91: {  	_ = 	snop  }
0x92: {  	[tilespmem:s25], [sflag:$0x2] =	stream.indirect_vreg.gather [hbm4b:s6+s2], $0x80, v5, vm0, $0xb8;
	[tilespmem:$0x19800] =	vst v63  }
0x93: {  	v5 =	vld [tilespmem:s19+$0x10];
	_ =	sdelay $0x4  }
0x94: {  	v6 =	vshrl.u32 v5, $0x3  }
0x95: {  	v6 =	vmul.u32 $0x30, v6  }
0x96: {  	v5 =	vand.u32 $0x7, v5  }
0x97: {  	v5 =	vor.u32 v5, v6  }
0x98: {  	v6 =	vperm.xlane v5, v0;
	_ =	sdelay $0x1  }
0x99: {  	v6 =	vadd.s32 v1, v6;
	_ =	sdelay $0x3  }
0x9a: {  	v5 =	vperm.xlane v5, v2  }
0x9b: {  	[tilespmem:s26], [sflag:$0x2] =	stream.indirect_vreg.gather [hbm4b:s3+s2], $0x80, v6, vm0, $0xb8;
	[tilespmem:$0x19800] =	vst v63  }
0x9c: {  	v5 =	vadd.s32 v1, v5  }
0x9d: {  	[tilespmem:s28], [sflag:$0x2] =	stream.indirect_vreg.gather [hbm4b:s5+s2], $0x80, v6, vm0, $0xb8;
	[tilespmem:$0x19800] =	vst v63  }
0x9e: {  	_ = 	snop  }
0x9f: {  	[tilespmem:s29], [sflag:$0x2] =	stream.indirect_vreg.gather [hbm4b:s6+s2], $0x80, v6, vm0, $0xb8;
	[tilespmem:$0x19800] =	vst v63  }
0xa0: {  	_ = 	snop  }
0xa1: {  	[tilespmem:s30], [sflag:$0x2] =	stream.indirect_vreg.gather [hbm4b:s3+s2], $0x80, v5, vm0, $0xb8;
	[tilespmem:$0x19800] =	vst v63  }
0xa2: {  	_ = 	snop  }
0xa3: {  	[tilespmem:s4], [sflag:$0x2] =	stream.indirect_vreg.gather [hbm4b:s5+s2], $0x80, v5, vm0, $0xb8;
	[tilespmem:$0x19800] =	vst v63  }
0xa4: {  	_ = 	snop  }
0xa5: {  	[tilespmem:s7], [sflag:$0x2] =	stream.indirect_vreg.gather [hbm4b:s6+s2], $0x80, v5, vm0, $0xb8;
	[tilespmem:$0x19800] =	vst v63  }
0xa6: {  	v5 =	vld.msk [tilespmem:s19+$0x20], $0xf;
	_ =	sdelay $0x4  }
0xa7: {  	v6 =	vshrl.u32 v5, $0x3  }
0xa8: {  	v6 =	vmul.u32 $0x30, v6  }
0xa9: {  	v5 =	vand.u32 $0x7, v5  }
0xaa: {  	v5 =	vor.u32 v5, v6  }
0xab: {  	v5 =	vperm.xlane v5, v3;
	_ =	sdelay $0x1  }
0xac: {  	v5 =	vadd.s32 v4, v5;
	_ =	sdelay $0x4  }
0xad: {  	[tilespmem:s1], [sflag:$0x5] =	stream.indirect_vreg.gather [hbm4b:s3+s2], $0x80, v5, vm0, $0xb8;
	[tilespmem:$0x19800] =	vst v63  }
0xae: {  	_ = 	snop  }
0xaf: {  	[tilespmem:s11], [sflag:$0x5] =	stream.indirect_vreg.gather [hbm4b:s6+s2], $0x80, v5, vm1, $0xb8;
	[tilespmem:$0x19800] =	vst v63  }
0xb0: {  	_ =	swait.ge [sflag:s13], $0x9000  }
0xb1: {  	[sflag:s13] =	ssyncset.done $0x0  }
0xb2: {  	s21 =	sadd.s32 s20, s8;
	[sflag:s13] =	ssyncadd.s32 $0xFFFF7000  }
0xb3: {  	[hbm4b:s21+s2] =	stream.linear.scatter [tilespmem:s22], [sflag:$0x3], $0x9000, $0x38;
	[tilespmem:$0x19800] =	vst v63  }
0xb4: {  	_ =	swait.ge [sflag:s14], $0xC000  }
0xb5: {  	[sflag:s14] =	ssyncset.done $0x0  }
0xb6: {  	s22 =	sadd.s32 s20, s9;
	[sflag:s14] =	ssyncadd.s32 $0xFFFF4000  }
0xb7: {  	[hbm4b:s22+s2] =	stream.linear.scatter [tilespmem:s31], [sflag:$0x4], $0xC000, $0x38;
	[tilespmem:$0x19800] =	vst v63  }
0xb8: {  	_ =	swait.ge [sflag:s15], $0xC00  }
0xb9: {  	[sflag:s15] =	ssyncset.done $0x0  }
0xba: {  	s22 =	sadd.s32 s20, s10;
	[sflag:s15] =	ssyncadd.s32 $0xFFFFF400  }
0xbb: {  	[hbm4b:s22+s12] =	stream.strided.scatter [tilespmem:s1], [sflag:$0x6], $0xC00, s0, s12, $0x38;
	[tilespmem:$0x19800] =	vst v63  }
0xbc: {  	_ =	swait.ge [sflag:s18], $0x9000  }
0xbd: {  	[sflag:s18] =	ssyncset.done $0x0  }
0xbe: {  	p0 =	seq.s32 s20, $0x135900;
	[sflag:s18] =	ssyncadd.s32 $0xFFFF7000  }
0xbf: {  	v5 =	vld @!p0 [tilespmem:s19+$0x28];
	_ =	sdelay $0x4  }
0xc0: {  	v6 =	vshrl.u32 @!p0 v5, $0x3  }
0xc1: {  	v6 =	vmul.u32 @!p0 $0x30, v6  }
0xc2: {  	v7 =	vlaneseq.u32 @!p0;
	v5 =	vand.u32 @!p0 $0x7, v5  }
0xc3: {  	v8 =	vshrl.u32 @!p0 v7, $0x3;
	v5 =	vor.u32 @!p0 v5, v6;
	v6 =	vand.u32 @!p0 $0x7, v7  }
0xc4: {  	v8 =	vmul.u32 @!p0 $0x8, v8;
	v9 =	vperm.xlane @!p0 v5, v6;
	_ =	sdelay $0x1  }
0xc5: {  	v9 =	vadd.s32 @!p0 v8, v9;
	_ =	sdelay $0x2  }
0xc6: {  	v7 =	vor.u32 @!p0 $0x8, v7  }
0xc7: {  	vm2 =	vmmov @!p0 $0xffff;
	s21 =	simm.s32 @!p0 $0x0;
	s22 =	simm.s32 @!p0 $0x3C00;
	v5 =	vperm.xlane @!p0 v5, v7  }
0xc8: {  	[tilespmem:s22], [sflag:$0x1] =	stream.indirect_vreg.gather @!p0 [hbm4b:s3+s21], $0x80, v9, vm2, $0xb8;
	[tilespmem:$0x19800] =	vst v63  }
0xc9: {  	v5 =	vadd.s32 @!p0 v8, v5;
	s22 =	simm.s32 @!p0 $0x4400  }
0xca: {  	[tilespmem:s22], [sflag:$0x1] =	stream.indirect_vreg.gather @!p0 [hbm4b:s5+s21], $0x80, v9, vm2, $0xb8;
	[tilespmem:$0x19800] =	vst v63  }
0xcb: {  	s22 =	simm.s32 @!p0 $0x4C00  }
0xcc: {  	[tilespmem:s22], [sflag:$0x1] =	stream.indirect_vreg.gather @!p0 [hbm4b:s6+s21], $0x80, v9, vm2, $0xb8;
	[tilespmem:$0x19800] =	vst v63  }
0xcd: {  	s22 =	simm.s32 @!p0 $0x5400  }
0xce: {  	[tilespmem:s22], [sflag:$0x1] =	stream.indirect_vreg.gather @!p0 [hbm4b:s3+s21], $0x80, v5, vm2, $0xb8;
	[tilespmem:$0x19800] =	vst v63  }
0xcf: {  	s22 =	simm.s32 @!p0 $0x5C00  }
0xd0: {  	[tilespmem:s22], [sflag:$0x1] =	stream.indirect_vreg.gather @!p0 [hbm4b:s5+s21], $0x80, v5, vm2, $0xb8;
	[tilespmem:$0x19800] =	vst v63  }
0xd1: {  	s22 =	simm.s32 @!p0 $0x6400  }
0xd2: {  	[tilespmem:s22], [sflag:$0x1] =	stream.indirect_vreg.gather @!p0 [hbm4b:s6+s21], $0x80, v5, vm2, $0xb8;
	[tilespmem:$0x19800] =	vst v63  }
0xd3: {  	v5 =	vld @!p0 [tilespmem:s19+$0x38];
	_ =	sdelay $0x4  }
0xd4: {  	v9 =	vshrl.u32 @!p0 v5, $0x3  }
0xd5: {  	v9 =	vmul.u32 @!p0 $0x30, v9  }
0xd6: {  	v5 =	vand.u32 @!p0 $0x7, v5  }
0xd7: {  	v5 =	vor.u32 @!p0 v5, v9  }
0xd8: {  	v9 =	vperm.xlane @!p0 v5, v6;
	_ =	sdelay $0x1  }
0xd9: {  	v9 =	vadd.s32 @!p0 v8, v9;
	_ =	sdelay $0x3  }
0xda: {  	s22 =	simm.s32 @!p0 $0x6C00;
	v5 =	vperm.xlane @!p0 v5, v7  }
0xdb: {  	[tilespmem:s22], [sflag:$0x1] =	stream.indirect_vreg.gather @!p0 [hbm4b:s3+s21], $0x80, v9, vm2, $0xb8;
	[tilespmem:$0x19800] =	vst v63  }
0xdc: {  	v5 =	vadd.s32 @!p0 v8, v5;
	s22 =	simm.s32 @!p0 $0x7400  }
0xdd: {  	[tilespmem:s22], [sflag:$0x1] =	stream.indirect_vreg.gather @!p0 [hbm4b:s5+s21], $0x80, v9, vm2, $0xb8;
	[tilespmem:$0x19800] =	vst v63  }
0xde: {  	s22 =	simm.s32 @!p0 $0x7C00  }
0xdf: {  	[tilespmem:s22], [sflag:$0x1] =	stream.indirect_vreg.gather @!p0 [hbm4b:s6+s21], $0x80, v9, vm2, $0xb8;
	[tilespmem:$0x19800] =	vst v63  }
0xe0: {  	s22 =	simm.s32 @!p0 $0x8400  }
0xe1: {  	[tilespmem:s22], [sflag:$0x1] =	stream.indirect_vreg.gather @!p0 [hbm4b:s3+s21], $0x80, v5, vm2, $0xb8;
	[tilespmem:$0x19800] =	vst v63  }
0xe2: {  	s22 =	simm.s32 @!p0 $0x8C00  }
0xe3: {  	[tilespmem:s22], [sflag:$0x1] =	stream.indirect_vreg.gather @!p0 [hbm4b:s5+s21], $0x80, v5, vm2, $0xb8;
	[tilespmem:$0x19800] =	vst v63  }
0xe4: {  	s22 =	simm.s32 @!p0 $0x9400  }
0xe5: {  	[tilespmem:s22], [sflag:$0x1] =	stream.indirect_vreg.gather @!p0 [hbm4b:s6+s21], $0x80, v5, vm2, $0xb8;
	[tilespmem:$0x19800] =	vst v63  }
0xe6: {  	v5 =	vld @!p0 [tilespmem:s19+$0x48];
	_ =	sdelay $0x4  }
0xe7: {  	v9 =	vshrl.u32 @!p0 v5, $0x3  }
0xe8: {  	v9 =	vmul.u32 @!p0 $0x30, v9  }
0xe9: {  	v5 =	vand.u32 @!p0 $0x7, v5  }
0xea: {  	v5 =	vor.u32 @!p0 v5, v9  }
0xeb: {  	v6 =	vperm.xlane @!p0 v5, v6;
	_ =	sdelay $0x1  }
0xec: {  	v6 =	vadd.s32 @!p0 v8, v6;
	_ =	sdelay $0x3  }
0xed: {  	s22 =	simm.s32 @!p0 $0x9C00;
	v5 =	vperm.xlane @!p0 v5, v7  }
0xee: {  	[tilespmem:s22], [sflag:$0x1] =	stream.indirect_vreg.gather @!p0 [hbm4b:s3+s21], $0x80, v6, vm2, $0xb8;
	[tilespmem:$0x19800] =	vst v63  }
0xef: {  	s20 =	sadd.s32 @!p0 $0x2700, s20;
	v5 =	vadd.s32 @!p0 v8, v5;
	s22 =	simm.s32 @!p0 $0xA400  }
0xf0: {  	[tilespmem:s22], [sflag:$0x1] =	stream.indirect_vreg.gather @!p0 [hbm4b:s5+s21], $0x80, v6, vm2, $0xb8;
	[tilespmem:$0x19800] =	vst v63  }
0xf1: {  	p1 =	sne.s32 @!p0 s20, $0x138000;
	s22 =	simm.s32 @!p0 $0xAC00  }
0xf2: {  	[tilespmem:s22], [sflag:$0x1] =	stream.indirect_vreg.gather @!p0 [hbm4b:s6+s21], $0x80, v6, vm2, $0xb8;
	[tilespmem:$0x19800] =	vst v63  }
0xf3: {  	p1 =	por p0, !p1;
	s22 =	simm.s32 @!p0 $0xB400  }
0xf4: {  	[tilespmem:s22], [sflag:$0x1] =	stream.indirect_vreg.gather @!p0 [hbm4b:s3+s21], $0x80, v5, vm2, $0xb8;
	[tilespmem:$0x19800] =	vst v63  }
.Ltmp0:
0xf5: {  	s22 =	simm.s32 @!p0 $0xBC00;
	(pc) =	sbr.rel @!p1 .LBB2_2-.Ltmp0, $4  }
0xf6: {  	[tilespmem:s22], [sflag:$0x1] =	stream.indirect_vreg.gather @!p0 [hbm4b:s5+s21], $0x80, v5, vm2, $0xb8;
	[tilespmem:$0x19800] =	vst v63  }
0xf7: {  	s22 =	simm.s32 @!p0 $0xC400  }
0xf8: {  	[tilespmem:s22], [sflag:$0x1] =	stream.indirect_vreg.gather @!p0 [hbm4b:s6+s21], $0x80, v5, vm2, $0xb8;
	[tilespmem:$0x19800] =	vst v63  }
0xf9: {  	s19 =	sadd.s32 @!p0 $0x78, s19;
	s22 =	simm.s32 $0x3C00  }
0xfa: {  	s0 =	simm.s32 $0x4  }
0xfb: {  	_ =	swait.ge [sflag:s0], $0xC000  }
0xfc: {  	[sflag:s0] =	ssyncset.done $0x0  }
0xfd: {  	s21 =	simm.s32 $0x6;
	[sflag:s0] =	ssyncadd.s32 $0xFFFF4000  }
0xfe: {  	_ =	swait.ge [sflag:s21], $0xC00  }
0xff: {  	s4 =	rddreg [dreg:$0x5]  }
0x100: {  	s19 =	rddreg [dreg:$0x4];
	s4 =	sadd.s32 $0x1, s4  }
0x101: {  	p0 =	sne.s32 s4, s19  }
.Ltmp1:
0x102: {  	_ = 	snop;
	(pc) =	sbr.rel @p0 .LBB2_1-.Ltmp1, $3  }
0x103: {  	_ =	sdelay $0x1  }
0x104: {  	[sflag:s21] =	ssyncset.done $0x0  }
0x105: {  	[sflag:s21] =	ssyncadd.s32 $0xFFFFF400  }
0x106: {  	_ =	sfence.sel $0x180000  }
0x107: {  	[bflag:$0x0] =	sbarrier.arrive $0xFFFF  }
0x108: {  	_ =	strace $0x90000047  }
0x109: {  	s0 =	stileid.u32;
	[bflag:$0x2] =	sbarrier.arrive $0xFFFF  }
0x10a: {  	p0 =	sne.s32 s0, $0x0;
	s0 =	rddreg [dreg:$0x2]  }
0x10b: {  	s0 =	sadd.s32 @!p0 $0x100000, s0  }
0x10c: {  	[sflag:s0] =	ssyncadd.tile.s32 @!p0 $0x1;
	_ =	shalt  }
.Lfunc_end2:
_tile_overlayer_lowered:
.L_overlay_start_2:
0x10d: {  	(tag) =	ssettag $0x2  }
0x10e: {  	s0 =	rddreg [dreg:$0x0];
	s2 =	stileid.u32  }
0x10f: {  	s1 =	rddreg [dreg:$0x1];
	p0 =	sne.s32 s2, $0x0  }
0x110: {  	s3 =	rddreg [dreg:$0x2];
	[bflag:$0x3] =	sbarrier.arrive $0xFFFF;
	s2 =	simm.s32 @!p0 $0x1C07  }
0x111: {  	[timem:s3], [sflag:s2] =	dma.local @!p0 [hbm:s0], s1  }
0x112: {  	s0 =	simm.s32 @!p0 $0x7  }
0x113: {  	_ =	swait.ge @!p0 [sflag:s0], s1  }
0x114: {  	s1 =	ssub.s32 @!p0 $0x0, s1;
	[sflag:s0] =	ssyncset.done @!p0 $0x0  }
0x115: {  	[sflag:s0] =	ssyncadd.s32 @!p0 s1  }
0x116: {  	[bflag:$0x3] =	sbarrier.arrive $0xFFFF  }
0x117: {  	_ =	shalt  }

</sc_bundles>
